<compile_context>
chip_gen: v7x
topology: tpu7x:2x2x1
jax: 0.10.2.dev20260603
libtpu: 0.0.44.dev20260713+nightly
codegen_flags: <defaults>
</compile_context>

<pallas_src>
import functools

import jax
import jax.numpy as jnp
from jax import lax
from jax.experimental import pallas as pl
from jax.experimental.pallas import tpu as pltpu
from jax.experimental.pallas import tpu_sc as plsc

_K = 8192
_D = 256
_N = 8192
_BN = 512
_NBLK = _N // _BN
_BETA = 0.25

_NC, _NS = 2, 16
_NW = _NC * _NS
_CHUNK = 128
_ROWS_PER_W = _N // _NW
_NCHUNK = _ROWS_PER_W // _CHUNK


def _vq_block(zn2_ref, en2_ref, lane_ref, z_ref, emb_ref,
              enc_ref, idx_ref, losssum_ref):
    i = pl.program_id(0)
    zm2 = z_ref[...] * -2.0
    emb = emb_ref[...]
    scores2 = jax.lax.dot_general(
        zm2, emb, (((1,), (1,)), ((), ())),
        preferred_element_type=jnp.float32)
    d = (zn2_ref[...] + en2_ref[...]) + scores2
    m = jnp.min(d, axis=1, keepdims=True)
    lanef = lane_ref[...]
    idxf = jnp.min(jnp.where(d == m, lanef, float(_K)), axis=1)
    idx = idxf.astype(jnp.int32)
    enc_ref[...] = (lanef == idxf[:, None]).astype(jnp.float32)
    idx_ref[0, 0, :] = idx

    @pl.when(i == 0)
    def _init():
        losssum_ref[...] = jnp.zeros((1, 1), jnp.float32)

    losssum_ref[...] += jnp.sum(m).reshape(1, 1)


@functools.partial(
    pl.kernel,
    mesh=plsc.VectorSubcoreMesh(core_axis_name="c", subcore_axis_name="s"),
    out_type=jax.ShapeDtypeStruct((_N, _D), jnp.float32),
    scratch_types=[
        pltpu.VMEM((_CHUNK,), jnp.int32),
        pltpu.VMEM((_CHUNK,), jnp.int32),
        pltpu.VMEM((_CHUNK, _D), jnp.float32),
        pltpu.VMEM((_CHUNK, _D), jnp.float32),
        pltpu.SemaphoreType.DMA,
        pltpu.SemaphoreType.DMA,
    ],
)
def _sc_gather(emb_hbm, idx_hbm, out_hbm, idx_v0, idx_v1, rows_v0, rows_v1,
               sem0, sem1):
    wid = lax.axis_index("s") * _NC + lax.axis_index("c")
    base = wid * _ROWS_PER_W
    pltpu.sync_copy(idx_hbm.at[pl.ds(base, _CHUNK)], idx_v0)
    g0 = pltpu.async_copy(emb_hbm.at[idx_v0], rows_v0, sem0)
    pltpu.sync_copy(idx_hbm.at[pl.ds(base + _CHUNK, _CHUNK)], idx_v1)
    g1 = pltpu.async_copy(emb_hbm.at[idx_v1], rows_v1, sem1)
    g0.wait()
    pltpu.sync_copy(rows_v0, out_hbm.at[pl.ds(base, _CHUNK)])
    g1.wait()
    pltpu.sync_copy(rows_v1, out_hbm.at[pl.ds(base + _CHUNK, _CHUNK)])


def kernel(z, emb_weight):
    zp = jnp.transpose(z, (0, 2, 3, 1))
    z_flat = zp.reshape(-1, _D)
    zn2 = jnp.sum(z_flat ** 2, axis=1, keepdims=True)
    en2 = jnp.sum(emb_weight ** 2, axis=1)[None, :]
    lane = jnp.arange(_K, dtype=jnp.float32)[None, :]

    enc, idx3, losssum = pl.pallas_call(
        _vq_block,
        grid=(_NBLK,),
        compiler_params=pltpu.CompilerParams(
            vmem_limit_bytes=100 * 1024 * 1024),
        in_specs=[
            pl.BlockSpec((_BN, 1), lambda i: (i, 0)),
            pl.BlockSpec((1, _K), lambda i: (0, 0)),
            pl.BlockSpec((1, _K), lambda i: (0, 0)),
            pl.BlockSpec((_BN, _D), lambda i: (i, 0)),
            pl.BlockSpec((_K, _D), lambda i: (0, 0)),
        ],
        out_specs=[
            pl.BlockSpec((_BN, _K), lambda i: (i, 0)),
            pl.BlockSpec((1, 1, _BN), lambda i: (i, 0, 0)),
            pl.BlockSpec((1, 1), lambda i: (0, 0)),
        ],
        out_shape=[
            jax.ShapeDtypeStruct((_N, _K), jnp.float32),
            jax.ShapeDtypeStruct((_NBLK, 1, _BN), jnp.int32),
            jax.ShapeDtypeStruct((1, 1), jnp.float32),
        ],
    )(zn2, en2, lane, z_flat, emb_weight)

    encoding_indices = idx3.reshape(_N)
    z_q_flat = _sc_gather(emb_weight, encoding_indices)

    loss = _BETA * (losssum[0, 0] / (_N * _D))
    z_q_out = jnp.transpose(z_q_flat.reshape(zp.shape), (0, 3, 1, 2))
    return (z_q_out, loss, enc, encoding_indices)

# --- scband reference (transcript-rebuilt; emitter-appended) ---
"""Pipeline reference for scband-emavector-quantizer-59528246722962 (READ-ONLY COPY).

The authoritative reference and input builder live on the scoring server;
editing this copy changes nothing except your own understanding.
"""

import jax, jax.numpy as jnp
import numpy as np

NUM_TOKENS = 8192
CODEBOOK_DIM = 256
BETA = 0.25

def setup_inputs(seed: int = 0) -> dict:
    key = jax.random.key(seed)
    k1, k2 = jax.random.split(key)
    z = jax.random.normal(k1, (8, 256, 32, 32), dtype=jnp.float32)
    emb_weight = jax.random.normal(k2, (NUM_TOKENS, CODEBOOK_DIM), dtype=jnp.float32)
    return {"z": z, "emb_weight": emb_weight}

def reference(z, emb_weight):
    # z: [B, C, H, W] -> [B, H, W, C]
    zp = jnp.transpose(z, (0, 2, 3, 1))
    z_flattened = zp.reshape(-1, CODEBOOK_DIM)
    # squared distances: ||z||^2 + ||e||^2 - 2 z.e
    d = (jnp.sum(z_flattened ** 2, axis=1, keepdims=True)
         + jnp.sum(emb_weight ** 2, axis=1)
         - 2.0 * jnp.einsum('bd,dn->bn', z_flattened, emb_weight.T))
    encoding_indices = jnp.argmin(d, axis=1)
    z_q = jnp.take(emb_weight, encoding_indices, axis=0).reshape(zp.shape)
    encodings = jax.nn.one_hot(encoding_indices, NUM_TOKENS, dtype=zp.dtype)
    # eval-mode forward (no EMA buffer updates)
    loss = BETA * jnp.mean((jax.lax.stop_gradient(z_q) - zp) ** 2)
    z_q_st = zp + jax.lax.stop_gradient(z_q - zp)
    z_q_out = jnp.transpose(z_q_st, (0, 3, 1, 2))
    return (z_q_out, loss, encodings, encoding_indices)

if __name__ == "__main__":
    import jax
    _d = setup_inputs()
    print(jax.jit(kernel)(*tuple(_d.values())))

</pallas_src>

<mosaic_0001>
#map = affine_map<(d0, d1) -> (0, 0)>
#map1 = affine_map<(d0, d1) -> (0)>
module attributes {stable_mosaic.version = 14 : i64} {
  func.func @_sc_gather(%arg0: i32, %arg1: i32, %arg2: memref<8192x256xf32, #tpu.memory_space<hbm>>, %arg3: memref<8192xi32, #tpu.memory_space<hbm>>, %arg4: memref<8192x256xf32, #tpu.memory_space<hbm>>, %arg5: memref<128xi32, #tpu.memory_space<vmem>>, %arg6: memref<128xi32, #tpu.memory_space<vmem>>, %arg7: memref<128x256xf32, #tpu.memory_space<vmem>>, %arg8: memref<128x256xf32, #tpu.memory_space<vmem>>, %arg9: memref<!tpu.dma_semaphore, #tpu.memory_space<semaphore_mem>>, %arg10: memref<!tpu.dma_semaphore, #tpu.memory_space<semaphore_mem>>) attributes {dimension_semantics = [#tpu.dimension_semantics<core_parallel>, #tpu.dimension_semantics<subcore_parallel>], iteration_bounds = array<i64: 2, 16>, scalar_prefetch = 0 : i64, scratch_operands = 6 : i64, tpu.core_type = #tpu.core_type<sc_vector_subcore>, window_params = [{transform_indices = #map}, {transform_indices = #map1}, {transform_indices = #map}]} {
    %mul3A = arith.constant 2 : i32
    %mul3A_0 = arith.muli %arg1, %mul3A : i32
    %add3A = arith.addi %mul3A_0, %arg0 : i32
    %mul3A_1 = arith.constant 256 : i32
    %mul3A_2 = arith.muli %add3A, %mul3A_1 : i32
    "tpu.region"() ({
      %run_scoped3A = tpu.sem_alloc : memref<!tpu.dma_semaphore, #tpu.memory_space<semaphore_mem>>
      %dma_start3A_17 = tpu.memref_slice %arg3[%mul3A_2] : memref<8192xi32, #tpu.memory_space<hbm>> -> memref<128xi32, #tpu.memory_space<hbm>>
      %dma_start3A_18 = tpu.memref_slice %arg3[%mul3A_2] : memref<8192xi32, #tpu.memory_space<hbm>> -> memref<128xi32, #tpu.memory_space<hbm>>
      tpu.enqueue_dma source(%dma_start3A_18 : memref<128xi32, #tpu.memory_space<hbm>>) target(%arg5 : memref<128xi32, #tpu.memory_space<vmem>>) target_semaphore(%run_scoped3A : memref<!tpu.dma_semaphore, #tpu.memory_space<semaphore_mem>>)
      %dma_wait3A_19 = tpu.memref_slice %arg3[%mul3A_2] : memref<8192xi32, #tpu.memory_space<hbm>> -> memref<128xi32, #tpu.memory_space<hbm>>
      %dma_wait3A_20 = tpu.memref_slice %arg3[%mul3A_2] : memref<8192xi32, #tpu.memory_space<hbm>> -> memref<128xi32, #tpu.memory_space<hbm>>
      tpu.wait_dma2 semaphore(%run_scoped3A : memref<!tpu.dma_semaphore, #tpu.memory_space<semaphore_mem>>) src(%dma_wait3A_20 : memref<128xi32, #tpu.memory_space<hbm>>) dst(%arg5 : memref<128xi32, #tpu.memory_space<vmem>>)
      tpu.yield
    }) : () -> ()
    %dma_start3A = arith.constant 0 : i32
    %dma_start3A_3 = arith.constant 0 : i32
    %dma_start3A_4 = tpu.memref_slice %arg2[%dma_start3A, %dma_start3A_3] : memref<8192x256xf32, #tpu.memory_space<hbm>> -> memref<8192x256xf32, #tpu.memory_space<hbm>>
    tpu.enqueue_indirect_dma source(%dma_start3A_4 : memref<8192x256xf32, #tpu.memory_space<hbm>>) target(%arg7 : memref<128x256xf32, #tpu.memory_space<vmem>>) offsets(%arg5 : memref<128xi32, #tpu.memory_space<vmem>>) semaphore(%arg9 : memref<!tpu.dma_semaphore, #tpu.memory_space<semaphore_mem>>)
    %add3A_5 = arith.constant 128 : i32
    %add3A_6 = arith.addi %mul3A_2, %add3A_5 : i32
    "tpu.region"() ({
      %run_scoped3A = tpu.sem_alloc : memref<!tpu.dma_semaphore, #tpu.memory_space<semaphore_mem>>
      %dma_start3A_17 = tpu.memref_slice %arg3[%add3A_6] : memref<8192xi32, #tpu.memory_space<hbm>> -> memref<128xi32, #tpu.memory_space<hbm>>
      %dma_start3A_18 = tpu.memref_slice %arg3[%add3A_6] : memref<8192xi32, #tpu.memory_space<hbm>> -> memref<128xi32, #tpu.memory_space<hbm>>
      tpu.enqueue_dma source(%dma_start3A_18 : memref<128xi32, #tpu.memory_space<hbm>>) target(%arg6 : memref<128xi32, #tpu.memory_space<vmem>>) target_semaphore(%run_scoped3A : memref<!tpu.dma_semaphore, #tpu.memory_space<semaphore_mem>>)
      %dma_wait3A_19 = tpu.memref_slice %arg3[%add3A_6] : memref<8192xi32, #tpu.memory_space<hbm>> -> memref<128xi32, #tpu.memory_space<hbm>>
      %dma_wait3A_20 = tpu.memref_slice %arg3[%add3A_6] : memref<8192xi32, #tpu.memory_space<hbm>> -> memref<128xi32, #tpu.memory_space<hbm>>
      tpu.wait_dma2 semaphore(%run_scoped3A : memref<!tpu.dma_semaphore, #tpu.memory_space<semaphore_mem>>) src(%dma_wait3A_20 : memref<128xi32, #tpu.memory_space<hbm>>) dst(%arg6 : memref<128xi32, #tpu.memory_space<vmem>>)
      tpu.yield
    }) : () -> ()
    %dma_start3A_7 = arith.constant 0 : i32
    %dma_start3A_8 = arith.constant 0 : i32
    %dma_start3A_9 = tpu.memref_slice %arg2[%dma_start3A_7, %dma_start3A_8] : memref<8192x256xf32, #tpu.memory_space<hbm>> -> memref<8192x256xf32, #tpu.memory_space<hbm>>
    tpu.enqueue_indirect_dma source(%dma_start3A_9 : memref<8192x256xf32, #tpu.memory_space<hbm>>) target(%arg8 : memref<128x256xf32, #tpu.memory_space<vmem>>) offsets(%arg6 : memref<128xi32, #tpu.memory_space<vmem>>) semaphore(%arg10 : memref<!tpu.dma_semaphore, #tpu.memory_space<semaphore_mem>>)
    %dma_wait3A = arith.constant 0 : i32
    %dma_wait3A_10 = arith.constant 0 : i32
    %dma_wait3A_11 = tpu.memref_slice %arg2[%dma_wait3A, %dma_wait3A_10] : memref<8192x256xf32, #tpu.memory_space<hbm>> -> memref<8192x256xf32, #tpu.memory_space<hbm>>
    tpu.wait_indirect_dma semaphore(%arg9 : memref<!tpu.dma_semaphore, #tpu.memory_space<semaphore_mem>>) src(%dma_wait3A_11 : memref<8192x256xf32, #tpu.memory_space<hbm>>) dst(%arg7 : memref<128x256xf32, #tpu.memory_space<vmem>>)
    "tpu.region"() ({
      %run_scoped3A = tpu.sem_alloc : memref<!tpu.dma_semaphore, #tpu.memory_space<semaphore_mem>>
      %dma_start3A_17 = arith.constant 0 : i32
      %dma_start3A_18 = tpu.memref_slice %arg4[%mul3A_2, %dma_start3A_17] : memref<8192x256xf32, #tpu.memory_space<hbm>> -> memref<128x256xf32, #tpu.memory_space<hbm>>
      %dma_start3A_19 = arith.constant 0 : i32
      %dma_start3A_20 = tpu.memref_slice %arg4[%mul3A_2, %dma_start3A_19] : memref<8192x256xf32, #tpu.memory_space<hbm>> -> memref<128x256xf32, #tpu.memory_space<hbm>>
      tpu.enqueue_dma source(%arg7 : memref<128x256xf32, #tpu.memory_space<vmem>>) target(%dma_start3A_20 : memref<128x256xf32, #tpu.memory_space<hbm>>) target_semaphore(%run_scoped3A : memref<!tpu.dma_semaphore, #tpu.memory_space<semaphore_mem>>)
      %dma_wait3A_21 = arith.constant 0 : i32
      %dma_wait3A_22 = tpu.memref_slice %arg4[%mul3A_2, %dma_wait3A_21] : memref<8192x256xf32, #tpu.memory_space<hbm>> -> memref<128x256xf32, #tpu.memory_space<hbm>>
      %dma_wait3A_23 = arith.constant 0 : i32
      %dma_wait3A_24 = tpu.memref_slice %arg4[%mul3A_2, %dma_wait3A_23] : memref<8192x256xf32, #tpu.memory_space<hbm>> -> memref<128x256xf32, #tpu.memory_space<hbm>>
      tpu.wait_dma2 semaphore(%run_scoped3A : memref<!tpu.dma_semaphore, #tpu.memory_space<semaphore_mem>>) src(%arg7 : memref<128x256xf32, #tpu.memory_space<vmem>>) dst(%dma_wait3A_24 : memref<128x256xf32, #tpu.memory_space<hbm>>)
      tpu.yield
    }) : () -> ()
    %dma_wait3A_12 = arith.constant 0 : i32
    %dma_wait3A_13 = arith.constant 0 : i32
    %dma_wait3A_14 = tpu.memref_slice %arg2[%dma_wait3A_12, %dma_wait3A_13] : memref<8192x256xf32, #tpu.memory_space<hbm>> -> memref<8192x256xf32, #tpu.memory_space<hbm>>
    tpu.wait_indirect_dma semaphore(%arg10 : memref<!tpu.dma_semaphore, #tpu.memory_space<semaphore_mem>>) src(%dma_wait3A_14 : memref<8192x256xf32, #tpu.memory_space<hbm>>) dst(%arg8 : memref<128x256xf32, #tpu.memory_space<vmem>>)
    %add3A_15 = arith.constant 128 : i32
    %add3A_16 = arith.addi %mul3A_2, %add3A_15 : i32
    "tpu.region"() ({
      %run_scoped3A = tpu.sem_alloc : memref<!tpu.dma_semaphore, #tpu.memory_space<semaphore_mem>>
      %dma_start3A_17 = arith.constant 0 : i32
      %dma_start3A_18 = tpu.memref_slice %arg4[%add3A_16, %dma_start3A_17] : memref<8192x256xf32, #tpu.memory_space<hbm>> -> memref<128x256xf32, #tpu.memory_space<hbm>>
      %dma_start3A_19 = arith.constant 0 : i32
      %dma_start3A_20 = tpu.memref_slice %arg4[%add3A_16, %dma_start3A_19] : memref<8192x256xf32, #tpu.memory_space<hbm>> -> memref<128x256xf32, #tpu.memory_space<hbm>>
      tpu.enqueue_dma source(%arg8 : memref<128x256xf32, #tpu.memory_space<vmem>>) target(%dma_start3A_20 : memref<128x256xf32, #tpu.memory_space<hbm>>) target_semaphore(%run_scoped3A : memref<!tpu.dma_semaphore, #tpu.memory_space<semaphore_mem>>)
      %dma_wait3A_21 = arith.constant 0 : i32
      %dma_wait3A_22 = tpu.memref_slice %arg4[%add3A_16, %dma_wait3A_21] : memref<8192x256xf32, #tpu.memory_space<hbm>> -> memref<128x256xf32, #tpu.memory_space<hbm>>
      %dma_wait3A_23 = arith.constant 0 : i32
      %dma_wait3A_24 = tpu.memref_slice %arg4[%add3A_16, %dma_wait3A_23] : memref<8192x256xf32, #tpu.memory_space<hbm>> -> memref<128x256xf32, #tpu.memory_space<hbm>>
      tpu.wait_dma2 semaphore(%run_scoped3A : memref<!tpu.dma_semaphore, #tpu.memory_space<semaphore_mem>>) src(%arg8 : memref<128x256xf32, #tpu.memory_space<vmem>>) dst(%dma_wait3A_24 : memref<128x256xf32, #tpu.memory_space<hbm>>)
      tpu.yield
    }) : () -> ()
    return
  }
}

module attributes {stable_mosaic.version = 14 : i64} {
  func.func @_vq_block(%arg0: i32, %arg1: memref<512x1xf32, #tpu.memory_space<vmem>>, %arg2: memref<1x8192xf32, #tpu.memory_space<vmem>>, %arg3: memref<1x8192xf32, #tpu.memory_space<vmem>>, %arg4: memref<512x256xf32, #tpu.memory_space<vmem>>, %arg5: memref<8192x256xf32, #tpu.memory_space<vmem>>, %arg6: memref<512x8192xf32, #tpu.memory_space<vmem>>, %arg7: memref<1x1x512xi32, #tpu.memory_space<vmem>>, %arg8: memref<1x1xf32, #tpu.memory_space<vmem>>) attributes {dimension_semantics = [#tpu.dimension_semantics<arbitrary>], iteration_bounds = array<i64: 16>, scalar_prefetch = 0 : i64, scratch_operands = 0 : i64, tpu.core_type = #tpu.core_type<tc>, window_params = [{transform_indices = @transform_0, window_bounds = array<i64: 512, 1>}, {pipeline_mode = #tpu.pipeline_mode<synchronous>, transform_indices = @transform_1, window_bounds = array<i64: 1, 8192>}, {pipeline_mode = #tpu.pipeline_mode<synchronous>, transform_indices = @transform_2, window_bounds = array<i64: 1, 8192>}, {transform_indices = @transform_3, window_bounds = array<i64: 512, 256>}, {pipeline_mode = #tpu.pipeline_mode<synchronous>, transform_indices = @transform_4, window_bounds = array<i64: 8192, 256>}, {transform_indices = @transform_5, window_bounds = array<i64: 512, 8192>}, {transform_indices = @transform_6, window_bounds = array<i64: 1, 1, 512>}, {pipeline_mode = #tpu.pipeline_mode<synchronous>, transform_indices = @transform_7, window_bounds = array<i64: 1, 1>}]} {
    %get3A = arith.constant 0 : index
    %get3A_0 = arith.constant 0 : index
    %get3A_1 = vector.load %arg4[%get3A, %get3A_0] : memref<512x256xf32, #tpu.memory_space<vmem>>, vector<512x256xf32>
    %mul3A = arith.constant -2.000000e+00 : f32
    %mul3A_2 = vector.broadcast %mul3A : f32 to vector<512x256xf32>
    %mul3A_3 = arith.mulf %get3A_1, %mul3A_2 : vector<512x256xf32>
    %get3A_4 = arith.constant 0 : index
    %get3A_5 = arith.constant 0 : index
    %get3A_6 = vector.load %arg5[%get3A_4, %get3A_5] : memref<8192x256xf32, #tpu.memory_space<vmem>>, vector<8192x256xf32>
    %dot_general3A = arith.constant dense<0.000000e+00> : vector<512x8192xf32>
    %dot_general3A_7 = tpu.matmul %mul3A_3, %get3A_6, %dot_general3A {dimension_numbers = #tpu.dot_dimension_numbers<[1], [1], [0], [0], [0, 0, 1, 0], [], []>, transpose_lhs_hint = false} : vector<512x256xf32>, vector<8192x256xf32>, vector<512x8192xf32> -> vector<512x8192xf32>
    %get3A_8 = arith.constant 0 : index
    %get3A_9 = arith.constant 0 : index
    %get3A_10 = vector.load %arg1[%get3A_8, %get3A_9] : memref<512x1xf32, #tpu.memory_space<vmem>>, vector<512x1xf32>
    %get3A_11 = arith.constant 0 : index
    %get3A_12 = arith.constant 0 : index
    %get3A_13 = vector.load %arg2[%get3A_11, %get3A_12] : memref<1x8192xf32, #tpu.memory_space<vmem>>, vector<1x8192xf32>
    %add3A = vector.broadcast %get3A_10 : vector<512x1xf32> to vector<512x8192xf32>
    %add3A_14 = vector.broadcast %get3A_13 : vector<1x8192xf32> to vector<512x8192xf32>
    %add3A_15 = arith.addf %add3A, %add3A_14 : vector<512x8192xf32>
    %add3A_16 = arith.addf %add3A_15, %dot_general3A_7 : vector<512x8192xf32>
    %reduce_min3A = arith.constant dense<0x7F800000> : vector<512xf32>
    %reduce_min3A_17 = vector.multi_reduction <minimumf>, %add3A_16, %reduce_min3A [1] : vector<512x8192xf32> to vector<512xf32>
    %broadcast_in_dim3A = vector.shape_cast %reduce_min3A_17 : vector<512xf32> to vector<512x1xf32>
    %get3A_18 = arith.constant 0 : index
    %get3A_19 = arith.constant 0 : index
    %get3A_20 = vector.load %arg3[%get3A_18, %get3A_19] : memref<1x8192xf32, #tpu.memory_space<vmem>>, vector<1x8192xf32>
    %eq3A = vector.broadcast %broadcast_in_dim3A : vector<512x1xf32> to vector<512x8192xf32>
    %eq3A_21 = arith.cmpf oeq, %add3A_16, %eq3A : vector<512x8192xf32>
    %jit3A = arith.constant 8.192000e+03 : f32
    %broadcast_in_dim3A_22 = vector.shape_cast %get3A_20 : vector<1x8192xf32> to vector<1x8192xf32>
    %broadcast_in_dim3A_23 = vector.broadcast %broadcast_in_dim3A_22 : vector<1x8192xf32> to vector<512x8192xf32>
    %broadcast_in_dim3A_24 = vector.broadcast %jit3A : f32 to vector<512x8192xf32>
    %select_n3A = arith.select %eq3A_21, %broadcast_in_dim3A_23, %broadcast_in_dim3A_24 : vector<512x8192xi1>, vector<512x8192xf32>
    %reduce_min3A_25 = arith.constant dense<0x7F800000> : vector<512xf32>
    %reduce_min3A_26 = vector.multi_reduction <minimumf>, %select_n3A, %reduce_min3A_25 [1] : vector<512x8192xf32> to vector<512xf32>
    %convert_element_type3A = arith.fptosi %reduce_min3A_26 : vector<512xf32> to vector<512xi32>
    %broadcast_in_dim3A_27 = vector.shape_cast %reduce_min3A_26 : vector<512xf32> to vector<512x1xf32>
    %eq3A_28 = vector.broadcast %get3A_20 : vector<1x8192xf32> to vector<512x8192xf32>
    %eq3A_29 = vector.broadcast %broadcast_in_dim3A_27 : vector<512x1xf32> to vector<512x8192xf32>
    %eq3A_30 = arith.cmpf oeq, %eq3A_28, %eq3A_29 : vector<512x8192xf32>
    %convert_element_type3A_31 = arith.extui %eq3A_30 : vector<512x8192xi1> to vector<512x8192xi32>
    %convert_element_type3A_32 = arith.sitofp %convert_element_type3A_31 : vector<512x8192xi32> to vector<512x8192xf32>
    %swap3A = arith.constant 0 : index
    %swap3A_33 = arith.constant 0 : index
    %swap3A_34 = vector.load %arg6[%swap3A, %swap3A_33] : memref<512x8192xf32, #tpu.memory_space<vmem>>, vector<512x8192xf32>
    tpu.vector_store %arg6[%swap3A, %swap3A_33], %convert_element_type3A_32 {strides = array<i32>} : memref<512x8192xf32, #tpu.memory_space<vmem>>, vector<512x8192xf32>,
    %swap3A_35 = arith.constant 0 : index
    %swap3A_36 = arith.constant 0 : index
    %swap3A_37 = arith.constant 0 : index
    %swap3A_38 = vector.load %arg7[%swap3A_35, %swap3A_36, %swap3A_37] : memref<1x1x512xi32, #tpu.memory_space<vmem>>, vector<1x1x512xi32>
    %swap3A_39 = vector.shape_cast %swap3A_38 : vector<1x1x512xi32> to vector<512xi32>
    %swap3A_40 = vector.shape_cast %convert_element_type3A : vector<512xi32> to vector<1x1x512xi32>
    tpu.vector_store %arg7[%swap3A_35, %swap3A_36, %swap3A_37], %swap3A_40 {strides = array<i32>} : memref<1x1x512xi32, #tpu.memory_space<vmem>>, vector<1x1x512xi32>,
    %eq3A_41 = arith.constant 0 : i32
    %eq3A_42 = arith.cmpi eq, %arg0, %eq3A_41 : i32
    %convert_element_type3A_43 = arith.extui %eq3A_42 : i1 to i32
    %cond3A = arith.constant 0 : i32
    %cond3A_44 = arith.cmpi ne, %convert_element_type3A_43, %cond3A : i32
    scf.if %cond3A_44 {
      %broadcast_in_dim3A_56 = arith.constant 0.000000e+00 : f32
      %broadcast_in_dim3A_57 = vector.broadcast %broadcast_in_dim3A_56 : f32 to vector<1x1xf32>
      %swap3A_58 = arith.constant 0 : index
      %swap3A_59 = arith.constant 0 : index
      %swap3A_60 = vector.load %arg8[%swap3A_58, %swap3A_59] : memref<1x1xf32, #tpu.memory_space<vmem>>, vector<1x1xf32>
      tpu.vector_store %arg8[%swap3A_58, %swap3A_59], %broadcast_in_dim3A_57 {strides = array<i32>} : memref<1x1xf32, #tpu.memory_space<vmem>>, vector<1x1xf32>,
    } else {
    }
    %get3A_45 = arith.constant 0 : index
    %get3A_46 = arith.constant 0 : index
    %get3A_47 = vector.load %arg8[%get3A_45, %get3A_46] : memref<1x1xf32, #tpu.memory_space<vmem>>, vector<1x1xf32>
    %reduce_sum3A = vector.shape_cast %broadcast_in_dim3A : vector<512x1xf32> to vector<1x512x1xf32>
    %reduce_sum3A_48 = arith.constant dense<0.000000e+00> : vector<1xf32>
    %reduce_sum3A_49 = vector.multi_reduction <add>, %reduce_sum3A, %reduce_sum3A_48 [1, 2] : vector<1x512x1xf32> to vector<1xf32>
    %reduce_sum3A_50 = vector.shape_cast %reduce_sum3A_49 : vector<1xf32> to vector<1x1x1xf32>
    %reduce_sum3A_51 = vector.extract %reduce_sum3A_50[0, 0, 0] : f32 from vector<1x1x1xf32>
    %reshape3A = vector.broadcast %reduce_sum3A_51 : f32 to vector<1x1xf32>
    %add3A_52 = arith.addf %get3A_47, %reshape3A : vector<1x1xf32>
    %swap3A_53 = arith.constant 0 : index
    %swap3A_54 = arith.constant 0 : index
    %swap3A_55 = vector.load %arg8[%swap3A_53, %swap3A_54] : memref<1x1xf32, #tpu.memory_space<vmem>>, vector<1x1xf32>
    tpu.vector_store %arg8[%swap3A_53, %swap3A_54], %add3A_52 {strides = array<i32>} : memref<1x1xf32, #tpu.memory_space<vmem>>, vector<1x1xf32>,
    return
  }
  func.func @transform_0(%arg0: i32) -> (i32, i32) {
    %c0_i32 = arith.constant 0 : i32
    %c0_i32_0 = arith.constant 0 : i32
    return %arg0, %c0_i32 : i32, i32
  }
  func.func @transform_1(%arg0: i32) -> (i32, i32) {
    %c0_i32 = arith.constant 0 : i32
    %c0_i32_0 = arith.constant 0 : i32
    %c0_i32_1 = arith.constant 0 : i32
    return %c0_i32, %c0_i32_0 : i32, i32
  }
  func.func @transform_2(%arg0: i32) -> (i32, i32) {
    %c0_i32 = arith.constant 0 : i32
    %c0_i32_0 = arith.constant 0 : i32
    %c0_i32_1 = arith.constant 0 : i32
    return %c0_i32, %c0_i32_0 : i32, i32
  }
  func.func @transform_3(%arg0: i32) -> (i32, i32) {
    %c0_i32 = arith.constant 0 : i32
    %c0_i32_0 = arith.constant 0 : i32
    return %arg0, %c0_i32 : i32, i32
  }
  func.func @transform_4(%arg0: i32) -> (i32, i32) {
    %c0_i32 = arith.constant 0 : i32
    %c0_i32_0 = arith.constant 0 : i32
    %c0_i32_1 = arith.constant 0 : i32
    return %c0_i32, %c0_i32_0 : i32, i32
  }
  func.func @transform_5(%arg0: i32) -> (i32, i32) {
    %c0_i32 = arith.constant 0 : i32
    %c0_i32_0 = arith.constant 0 : i32
    return %arg0, %c0_i32 : i32, i32
  }
  func.func @transform_6(%arg0: i32) -> (i32, i32, i32) {
    %c0_i32 = arith.constant 0 : i32
    %c0_i32_0 = arith.constant 0 : i32
    %c0_i32_1 = arith.constant 0 : i32
    return %arg0, %c0_i32, %c0_i32_0 : i32, i32, i32
  }
  func.func @transform_7(%arg0: i32) -> (i32, i32) {
    %c0_i32 = arith.constant 0 : i32
    %c0_i32_0 = arith.constant 0 : i32
    %c0_i32_1 = arith.constant 0 : i32
    return %c0_i32, %c0_i32_0 : i32, i32
  }
}

</mosaic_0001>

<sc_bundles>
// kernel: kernel.4.cloned.1.call-start
scs
__scs_entry_jumppad:
0x0: {  	(pc) =	sbr.rel $0x88, $3  }
0x1: {  	(tag) =	ssettag $0x0;
	lr =	simm.s32 $0x1  }
0x2: {  	[smem:$0x3F9F] =	sst lr;
	_ =	strace $0xD0000000  }
0x3: {  	_ = 	snop  }
0x4: {  	_ = 	snop  }
0x5: {  	_ = 	snop  }
0x6: {  	_ = 	snop  }
0x7: {  	_ = 	snop  }
__scs_overlays_trampoline_lowered:
0x8: {  	[smem:$0x3FAE] =	sst s0  }
0x9: {  	[smem:$0x3FAF] =	sst s1  }
0xa: {  	[smem:$0x3FB0] =	sst s2  }
0xb: {  	[smem:$0x3FB1] =	sst s3  }
0xc: {  	[smem:$0x3FB2] =	sst s4  }
0xd: {  	[smem:$0x3FB3] =	sst s5  }
0xe: {  	[smem:$0x3FB4] =	sst s6  }
0xf: {  	[smem:$0x3FB5] =	sst s7  }
0x10: {  	[smem:$0x3FB6] =	sst s8  }
0x11: {  	[smem:$0x3FB7] =	sst s9;
	s0 =	simm.s32 @!p0 $0x0  }
0x12: {  	s1 =	sld [smem:$0x3F9D];
	s0 =	simm.s32 @p0 $0x1  }
0x13: {  	[smem:$0x3FB8] =	sst s0;
	s0 =	simm.s32 @!p1 $0x0  }
0x14: {  	s2 =	sld [smem:$0x3F9C];
	s0 =	simm.s32 @p1 $0x1  }
0x15: {  	[smem:$0x3FB9] =	sst s0;
	s0 =	simm.s32 @!p2 $0x0  }
0x16: {  	s3 =	sld [smem:$0x3FDB];
	s0 =	simm.s32 @p2 $0x1  }
0x17: {  	s4 =	simm.s32 $0x1BF5;
	[smem:$0x3FBB] =	sst s0  }
0x18: {  	s0 =	sld [smem:$0x3F9E];
	_ =	swait.ge [sflag:s4], $0x0  }
0x19: {  	s7 =	sld [smem:$0x3F9F]  }
0x1a: {  	s8 =	sadd.s32 $0xFFFFE003, lr  }
0x1b: {  	s9 =	sadd.s32 $0xFFFFFEF7, lr;
	s5 =	simm.s32 $0xFFFFFFFF;
	p2 =	slt.u32 s8, $0xFFFFF086  }
0x1c: {  	p1 =	slt.u32 s9, $0xF7A;
	s5 =	simm.s32 @!p2 $0x0  }
0x1d: {  	s5 =	simm.s32 @p1 $0x1;
	p0 =	seq.s32 s7, s2  }
0x1e: {  	s7 =	smul.u32 @!p0 $0xF7A, s2;
	p2 =	seq.s32 @!p0 s5, $0x0  }
0x1f: {  	s9 =	smul.u32 $0xF7A, s1;
	s8 =	simm.s32 @!p0 $0x1BF5;
	p2 =	por !p2, p0  }
0x20: {  	[sflag:s8] =	ssyncset.s32 @!p0 $0xFFFFF086;
	s6 =	sadd.s32 @!p0 s3, s7;
	s7 =	simm.s32 @!p0 $0x108  }
0x21: {  	s3 =	sadd.s32 s3, s9;
	s6 =	sadd.s32 @!p0 $0x88, s6;
	s7 =	simm.s32 @p2 $0x1082  }
0x22: {  	[simem:s7], [sflag:s8] =	dma.local @!p0 [hbm:s6], $0xF7A  }
0x23: {  	s9 =	sor.u32 $0xD0000000, s2;
	s6 =	simm.s32 $0x108;
	_ =	swait.ge @!p0 [sflag:s8], $0x0  }
0x24: {  	s3 =	sadd.s32 $0x88, s3;
	s6 =	simm.s32 @!p1 $0x1082;
	[sflag:s4] =	ssyncset.s32 $0xFFFFF086  }
0x25: {  	[simem:s6], [sflag:s4] =	dma.local [hbm:s3], $0xF7A  }
0x26: {  	[smem:$0x3F9F] =	sst s1;
	(tag) =	ssettag s2;
	_ =	strace s9  }
0x27: {  	s1 =	sld [smem:$0x3FAF]  }
0x28: {  	s2 =	sld [smem:$0x3FB0]  }
0x29: {  	s4 =	sld [smem:$0x3FB2]  }
0x2a: {  	p0 =	seq.s32 s5, $0x0;
	s5 =	sld [smem:$0x3FB3]  }
0x2b: {  	s6 =	sld [smem:$0x3FB4]  }
0x2c: {  	s7 =	sld [smem:$0x3FB5]  }
0x2d: {  	s3 =	simm.s32 $0x108;
	s8 =	sld [smem:$0x3FB6]  }
0x2e: {  	s3 =	simm.s32 @!p0 $0x1082;
	s9 =	sld [smem:$0x3FB7]  }
0x2f: {  	lr =	sadd.s32 s0, s3;
	s0 =	sld [smem:$0x3FAE]  }
0x30: {  	s3 =	sld [smem:$0x3FB1]  }
0x31: {  	[smem:$0x3FBA] =	sst s10  }
0x32: {  	s10 =	sld [smem:$0x3FB8];
	_ =	sdelay $0x3  }
0x33: {  	p0 =	seq.s32 s10, $0x1;
	s10 =	sld [smem:$0x3FBA];
	_ =	sdelay $0x3  }
0x34: {  	[smem:$0x3FBA] =	sst s10  }
0x35: {  	s10 =	sld [smem:$0x3FB9];
	_ =	sdelay $0x3  }
0x36: {  	p1 =	seq.s32 s10, $0x1;
	s10 =	sld [smem:$0x3FBA];
	_ =	sdelay $0x3  }
0x37: {  	[smem:$0x3FBA] =	sst s10  }
0x38: {  	s10 =	sld [smem:$0x3FBB]  }
0x39: {  	_ = 	snop;
	(pc) =	sbr.ind lr, $3  }
0x3a: {  	_ = 	snop  }
0x3b: {  	_ = 	snop  }
0x3c: {  	p2 =	seq.s32 s10, $0x1;
	s10 =	sld [smem:$0x3FBA]  }
0x3d: {  	_ =	shalt  }
0x3e: {  	_ =	shalt  }
0x3f: {  	_ =	shalt  }
0x40: {  	_ =	shalt  }
0x41: {  	_ =	shalt  }
0x42: {  	_ =	shalt  }
0x43: {  	_ =	shalt  }
0x44: {  	_ =	shalt  }
0x45: {  	_ =	shalt  }
0x46: {  	_ =	shalt  }
0x47: {  	_ =	shalt  }
0x48: {  	_ =	shalt  }
0x49: {  	_ =	shalt  }
0x4a: {  	_ =	shalt  }
0x4b: {  	_ =	shalt  }
0x4c: {  	_ =	shalt  }
0x4d: {  	_ =	shalt  }
0x4e: {  	_ =	shalt  }
0x4f: {  	_ =	shalt  }
0x50: {  	_ =	shalt  }
0x51: {  	_ =	shalt  }
0x52: {  	_ =	shalt  }
0x53: {  	_ =	shalt  }
0x54: {  	_ =	shalt  }
0x55: {  	_ =	shalt  }
0x56: {  	_ =	shalt  }
0x57: {  	_ =	shalt  }
0x58: {  	_ =	shalt  }
0x59: {  	_ =	shalt  }
0x5a: {  	_ =	shalt  }
0x5b: {  	_ =	shalt  }
0x5c: {  	_ =	shalt  }
0x5d: {  	_ =	shalt  }
0x5e: {  	_ =	shalt  }
0x5f: {  	_ =	shalt  }
0x60: {  	_ =	shalt  }
0x61: {  	_ =	shalt  }
0x62: {  	_ =	shalt  }
0x63: {  	_ =	shalt  }
0x64: {  	_ =	shalt  }
0x65: {  	_ =	shalt  }
0x66: {  	_ =	shalt  }
0x67: {  	_ =	shalt  }
0x68: {  	_ =	shalt  }
0x69: {  	_ =	shalt  }
0x6a: {  	_ =	shalt  }
0x6b: {  	_ =	shalt  }
0x6c: {  	_ =	shalt  }
0x6d: {  	_ =	shalt  }
0x6e: {  	_ =	shalt  }
0x6f: {  	_ =	shalt  }
0x70: {  	_ =	shalt  }
0x71: {  	_ =	shalt  }
0x72: {  	_ =	shalt  }
0x73: {  	_ =	shalt  }
0x74: {  	_ =	shalt  }
0x75: {  	_ =	shalt  }
0x76: {  	_ =	shalt  }
0x77: {  	_ =	shalt  }
0x78: {  	_ =	shalt  }
0x79: {  	_ =	shalt  }
0x7a: {  	_ =	shalt  }
0x7b: {  	_ =	shalt  }
0x7c: {  	_ =	shalt  }
0x7d: {  	_ =	shalt  }
0x7e: {  	_ =	shalt  }
0x7f: {  	_ =	shalt  }
0x80: {  	_ =	shalt  }
0x81: {  	_ =	shalt  }
0x82: {  	_ =	shalt  }
0x83: {  	_ =	shalt  }
0x84: {  	_ =	shalt  }
0x85: {  	_ =	shalt  }
0x86: {  	_ =	shalt  }
0x87: {  	_ =	shalt  }
.Lfunc_end0:
.L_simem_size_0:
called_computation_lowered:
.L_overlay_start_0:
0x88: {  	s2 =	sld [smem:$0x3FD9]  }
0x89: {  	s3 =	sld [smem:$0x3FFE];
	_ =	sdelay $0x1  }
0x8a: {  	s1 =	srdreg.scid  }
0x8b: {  	s0 =	sand.u32 $0x1, s1  }
0x8c: {  	s15 =	sshll.u32 s0, $0xA;
	s2 =	sadd.s32 s3, s2  }
0x8d: {  	s2 =	sadd.s32 s2, s15  }
0x8e: {  	[smem:$0x3FC6] =	sst s2  }
0x8f: {  	_ = 	snop  }
0x90: {  	s2 =	sld [smem:$0x3FD0];
	_ =	sdelay $0x2  }
0x91: {  	s4 =	simm.s32 $0xA;
	s5 =	simm.s32 $0x10;
	s16 =	sld [smem:$0x3FC8]  }
0x92: {  	[smem:s5], [sflag:s4] =	dma.local [hbm:s2], $0x1  }
0x93: {  	_ =	swait.eq [sflag:s4], $0x1  }
0x94: {  	[sflag:s4] =	ssyncset.done $0x0  }
0x95: {  	s17 =	sld [smem:$0x10];
	[sflag:s4] =	ssyncadd.s32 $0xFFFFFFFF  }
0x96: {  	s18 =	sld [smem:$0x13];
	(tm) =	ssettm $0x1  }
0x97: {  	s19 =	sld [smem:$0x3FFB];
	_ =	sdelay $0x3  }
0x98: {  	_ =	strace s19  }
0x99: {  	s5 =	sld [smem:$0x3FFC];
	_ =	sdelay $0x3  }
0x9a: {  	_ =	strace s5  }
0x9b: {  	s5 =	sld [smem:$0x3FFD];
	_ =	sdelay $0x3  }
0x9c: {  	_ =	strace s5  }
0x9d: {  	_ =	strace $0x8FFFFFFF  }
0x9e: {  	s20 =	sld [smem:$0x3FDB];
	_ =	sdelay $0x1  }
0x9f: {  	s6 =	simm.s32 $_scs_section_size  }
0xa0: {  	s7 =	simm.s32 $_size__tile_overlayer_lowered;
	s8 =	simm.s32 $_tile_overlayer_lowered  }
0xa1: {  	s23 =	simm.s32 $0x1BFF;
	s22 =	sshll.u32 s8, $0x1;
	s5 =	sadd.s32 s6, s20  }
0xa2: {  	s9 =	simm.s32 $0x0;
	s21 =	sshll.u32 s7, $0x1;
	s7 =	sadd.s32 s22, s5  }
0xa3: {  	[timem:s9], [sflag:s23] =	dma.local [hbm:s7], s21  }
0xa4: {  	_ =	swait.ge [sflag:s23], s21  }
0xa5: {  	s6 =	ssub.s32 $0x0, s21;
	[sflag:s23] =	ssyncset.done $0x0  }
0xa6: {  	[sflag:s23] =	ssyncadd.s32 s6;
	_ =	sdelay $0x1  }
0xa7: {  	s24 =	simm.s32 $0x1B8B  }
0xa8: {  	_ =	swait.ge [sflag:s24], $0x1  }
0xa9: {  	[sflag:s24] =	ssyncset.done $0x0  }
0xaa: {  	s25 =	simm.s32 $0x1B8E;
	[sflag:s24] =	ssyncadd.s32 $0xFFFFFFFF  }
0xab: {  	s26 =	simm.s32 $execute0_lowered;
	[smem:$0x3FD2] =	sst s25  }
0xac: {  	s6 =	sshll.u32 s26, $0x1;
	_ =	strace $0x80000046;
	[dreg:$0x1] =	wrdreg $0xFFFFFFFF  }
0xad: {  	s28 =	simm.s32 $_size_execute0_lowered;
	s5 =	sadd.s32 s5, s6;
	[dreg:$0x0] =	wrdreg $0x0  }
0xae: {  	s6 =	sshll.u32 s28, $0x1;
	[dreg:$0x2] =	wrdreg s5  }
0xaf: {  	[dreg:$0x3] =	wrdreg s6  }
0xb0: {  	[dreg:$0x4] =	wrdreg $0xC0  }
0xb1: {  	_ =	task [dreg:s9], $0x5FFFF  }
0xb2: {  	[dreg:$0x1] =	wrdreg $0xFFFFFFFF  }
0xb3: {  	[dreg:$0x0] =	wrdreg $0x60  }
0xb4: {  	[dreg:$0x2] =	wrdreg s16  }
0xb5: {  	[dreg:$0x3] =	wrdreg s18  }
0xb6: {  	[dreg:$0x4] =	wrdreg s17  }
0xb7: {  	[dreg:$0x5] =	wrdreg $0x9  }
0xb8: {  	_ =	task.clear_ibuf [dreg:s9], $0x6FFFF;
	_ =	strace $0x90000046  }
0xb9: {  	s29 =	simm.s32 $0x9;
	_ =	strace $0x80000048  }
0xba: {  	_ =	swait.ge [sflag:s29], $0x1  }
0xbb: {  	[sflag:s29] =	ssyncadd.s32 $0xFFFFFFFF  }
0xbc: {  	_ =	strace $0x90000048  }
0xbd: {  	_ =	sfence  }
0xbe: {  	s30 =	sld [smem:$0x0];
	_ =	sdelay $0x2  }
0xbf: {  	s31 =	sshll.u32 s1, $0xD;
	s1 =	sshrl.u32 s1, $0x2  }
0xc0: {  	s3 =	sand.u32 $0x4000, s31;
	s1 =	sadd.s32 s1, s30  }
0xc1: {  	s0 =	sor.u32 s3, s0;
	s1 =	sshll.u32 s1, $0x11  }
0xc2: {  	s0 =	sor.u32 s1, s0  }
0xc3: {  	s0 =	sadd.s32 $0x8F2B, s0  }
0xc4: {  	[sflag:s0] =	ssyncadd.remote.s32 $0x1  }
0xc5: {  	_ =	sfence.sel $0xFFFF  }
0xc6: {  	[dreg:$0x0] =	wrdreg $0xFFFFFFFF;
	(pc) =	sbr.abs _section_cstart, $3  }
0xc7: {  	[dreg:$0x1] =	wrdreg $0xFFFFFFFF  }
0xc8: {  	_ =	task.clear_ibuf [dreg:s9], $0x2FFFF;
	_ =	strace $0x9FFFFFFF  }
0xc9: {  	(tm) =	ssettm $0x7FFFFFFF  }
tec
execute0_lowered:
.L_overlay_start_1:
0x0: {  	(tag) =	ssettag $0x1  }
0x1: {  	s1 =	rddreg [dreg:$0x0];
	s2 =	srdreg.scid  }
0x2: {  	s4 =	rddreg [dreg:$0x1];
	s0 =	stileid.u32  }
0x3: {  	s5 =	rddreg [dreg:$0x2];
	s3 =	simm.s32 $0x0;
	s17 =	simm.s32 $0x900  }
0x4: {  	s18 =	simm.s32 $0x1100;
	s19 =	simm.s32 $0x1900;
	s20 =	simm.s32 $0x2100  }
0x5: {  	s21 =	simm.s32 $0x2900;
	s23 =	simm.s32 $0x3100;
	[smem:$0x7FF] =	sst s3  }
0x6: {  	s24 =	simm.s32 $0x3900;
	_ =	strace $0x80000047;
	[dreg:$0x8] =	wrdreg s17  }
0x7: {  	s25 =	simm.s32 $0x4100;
	s26 =	simm.s32 $0x4900;
	[dreg:$0x9] =	wrdreg s18  }
0x8: {  	s10 =	simm.s32 $0x6900;
	s11 =	simm.s32 $0x7100;
	[dreg:$0xa] =	wrdreg s19  }
0x9: {  	s12 =	simm.s32 $0x7900;
	s13 =	simm.s32 $0x80;
	[dreg:$0xb] =	wrdreg s20  }
0xa: {  	s28 =	simm.s32 $0xE900;
	s29 =	simm.s32 $0xF100;
	[dreg:$0xc] =	wrdreg s21  }
0xb: {  	s30 =	simm.s32 $0xF900;
	s31 =	simm.s32 $0x1;
	[dreg:$0xd] =	wrdreg s23  }
0xc: {  	s2 =	sand.u32 $0x1, s2;
	s6 =	sshll.u32 s0, $0x9;
	[dreg:$0xe] =	wrdreg s24  }
0xd: {  	s7 =	sshll.u32 s2, $0x8;
	s2 =	ssub.s32 $0x2, s2;
	[dreg:$0xf] =	wrdreg s25  }
0xe: {  	[dreg:$0x10] =	wrdreg s26;
	s17 =	simm.s32 $0x9900;
	s18 =	simm.s32 $0xA100  }
0xf: {  	s19 =	simm.s32 $0xA900;
	s20 =	simm.s32 $0xB100;
	s21 =	simm.s32 $0xB900  }
0x10: {  	s23 =	simm.s32 $0xC900;
	s24 =	simm.s32 $0xD100;
	s25 =	simm.s32 $0xD900  }
0x11: {  	s26 =	simm.s32 $0xE100;
	s6 =	sor.u32 s7, s6;
	s22 =	sshrl.u32 s2, $0x1  }
0x12: {  	s7 =	sshrl.u32 s6, $0x3;
	s8 =	sor.u32 $0x80, s6;
	s6 =	sshll.u32 s6, $0x5  }
0x13: {  	s2 =	ssub.s32 s2, s22;
	s22 =	simm.s32 $0xC100;
	s7 =	sadd.s32 s4, s7  }
0x14: {  	s9 =	sshrl.u32 s8, $0x3;
	s14 =	sadd.s32 s5, s6;
	s15 =	sshll.u32 s8, $0x5  }
0x15: {  	s6 =	simm.s32 $0x100;
	s8 =	simm.s32 $0x5900;
	[dreg:$0x4] =	wrdreg s7  }
0x16: {  	s4 =	sadd.s32 s4, s9;
	[dreg:$0x6] =	wrdreg s14;
	s16 =	sadd.s32 s5, s15  }
0x17: {  	v2 =	vlaneseq.u32;
	s5 =	simm.s32 $0x3;
	s9 =	simm.s32 $0x6100;
	[dreg:$0x5] =	wrdreg s4  }
0x18: {  	vm0 =	vmmov $0xffff;
	v1 =	vshrl.u32 v2, $0x3;
	s14 =	simm.s32 $0x8100;
	s15 =	simm.s32 $0x8900;
	[dreg:$0x7] =	wrdreg s16  }
0x19: {  	v0 =	vand.u32 $0x7, v2;
	v2 =	vor.u32 $0x8, v2;
	v1 =	vmul.u32 $0x8, v1;
	s4 =	smax.u32 s2, $0x1;
	s16 =	simm.s32 $0x9100;
	s2 =	simm.s32 $0x2  }
.LBB2_1:
0x1a: {  	s0 =	rddreg [dreg:$0x4]  }
0x1b: {  	[tilespmem:s3], [sflag:$0x3] =	stream.linear.gather [hbm4b:s0+s3], $0x80, $0x38;
	[tilespmem:$0x10100] =	vst v63  }
0x1c: {  	_ =	swait.ge [sflag:s5], $0x80  }
0x1d: {  	[sflag:s5] =	ssyncset.done $0x0  }
0x1e: {  	[sflag:s5] =	ssyncadd.s32 $0xFFFFFF80  }
0x1f: {  	v3 =	vld [tilespmem:$0x0];
	_ =	sdelay $0x4  }
0x20: {  	v4 =	vshll.u32 v3, $0x1  }
0x21: {  	v3 =	vand.u32 $0x7, v3;
	v4 =	vand.u32 $0xFFFFFFF0, v4  }
0x22: {  	v3 =	vor.u32 v3, v4  }
0x23: {  	v4 =	vperm.xlane v3, v0;
	_ =	sdelay $0x1  }
0x24: {  	v3 =	vperm.xlane v3, v2;
	v4 =	vadd.s32 v1, v4;
	_ =	sdelay $0x1  }
0x25: {  	v3 =	vadd.s32 v1, v3;
	_ =	sdelay $0x2  }
0x26: {  	[tilespmem:s6], [sflag:$0x1] =	stream.indirect_vreg.gather [hbm4b:s1+s3], $0x80, v4, vm0, $0xb8;
	[tilespmem:$0x10100] =	vst v63  }
0x27: {  	s7 =	rddreg [dreg:$0x8]  }
0x28: {  	[tilespmem:s7], [sflag:$0x1] =	stream.indirect_vreg.gather [hbm4b:s1+s3], $0x80, v3, vm0, $0xb8;
	[tilespmem:$0x10100] =	vst v63  }
0x29: {  	v3 =	vld [tilespmem:$0x10];
	_ =	sdelay $0x4  }
0x2a: {  	v49 =	vshll.u32 v3, $0x1  }
0x2b: {  	v3 =	vand.u32 $0x7, v3;
	v4 =	vand.u32 $0xFFFFFFF0, v49  }
0x2c: {  	v3 =	vor.u32 v3, v4  }
0x2d: {  	v4 =	vperm.xlane v3, v0;
	_ =	sdelay $0x1  }
0x2e: {  	v3 =	vperm.xlane v3, v2;
	v4 =	vadd.s32 v1, v4;
	_ =	sdelay $0x1  }
0x2f: {  	v3 =	vadd.s32 v1, v3;
	_ =	sdelay $0x1  }
0x30: {  	s0 =	rddreg [dreg:$0x9]  }
0x31: {  	[tilespmem:s0], [sflag:$0x1] =	stream.indirect_vreg.gather [hbm4b:s1+s3], $0x80, v4, vm0, $0xb8;
	[tilespmem:$0x10100] =	vst v63  }
0x32: {  	s7 =	rddreg [dreg:$0xa]  }
0x33: {  	[tilespmem:s7], [sflag:$0x1] =	stream.indirect_vreg.gather [hbm4b:s1+s3], $0x80, v3, vm0, $0xb8;
	[tilespmem:$0x10100] =	vst v63  }
0x34: {  	v3 =	vld [tilespmem:$0x20];
	_ =	sdelay $0x4  }
0x35: {  	v50 =	vshll.u32 v3, $0x1  }
0x36: {  	v3 =	vand.u32 $0x7, v3;
	v4 =	vand.u32 $0xFFFFFFF0, v50  }
0x37: {  	v3 =	vor.u32 v3, v4  }
0x38: {  	v4 =	vperm.xlane v3, v0;
	_ =	sdelay $0x1  }
0x39: {  	v3 =	vperm.xlane v3, v2;
	v4 =	vadd.s32 v1, v4;
	_ =	sdelay $0x1  }
0x3a: {  	v3 =	vadd.s32 v1, v3;
	_ =	sdelay $0x1  }
0x3b: {  	s0 =	rddreg [dreg:$0xb]  }
0x3c: {  	[tilespmem:s0], [sflag:$0x1] =	stream.indirect_vreg.gather [hbm4b:s1+s3], $0x80, v4, vm0, $0xb8;
	[tilespmem:$0x10100] =	vst v63  }
0x3d: {  	s7 =	rddreg [dreg:$0xc]  }
0x3e: {  	[tilespmem:s7], [sflag:$0x1] =	stream.indirect_vreg.gather [hbm4b:s1+s3], $0x80, v3, vm0, $0xb8;
	[tilespmem:$0x10100] =	vst v63  }
0x3f: {  	v3 =	vld [tilespmem:$0x30];
	_ =	sdelay $0x4  }
0x40: {  	v51 =	vshll.u32 v3, $0x1  }
0x41: {  	v3 =	vand.u32 $0x7, v3;
	v4 =	vand.u32 $0xFFFFFFF0, v51  }
0x42: {  	v3 =	vor.u32 v3, v4  }
0x43: {  	v4 =	vperm.xlane v3, v0;
	_ =	sdelay $0x1  }
0x44: {  	v3 =	vperm.xlane v3, v2;
	v4 =	vadd.s32 v1, v4;
	_ =	sdelay $0x1  }
0x45: {  	v3 =	vadd.s32 v1, v3;
	_ =	sdelay $0x1  }
0x46: {  	s0 =	rddreg [dreg:$0xd]  }
0x47: {  	[tilespmem:s0], [sflag:$0x1] =	stream.indirect_vreg.gather [hbm4b:s1+s3], $0x80, v4, vm0, $0xb8;
	[tilespmem:$0x10100] =	vst v63  }
0x48: {  	s7 =	rddreg [dreg:$0xe]  }
0x49: {  	[tilespmem:s7], [sflag:$0x1] =	stream.indirect_vreg.gather [hbm4b:s1+s3], $0x80, v3, vm0, $0xb8;
	[tilespmem:$0x10100] =	vst v63  }
0x4a: {  	v3 =	vld [tilespmem:$0x40];
	_ =	sdelay $0x4  }
0x4b: {  	v52 =	vshll.u32 v3, $0x1  }
0x4c: {  	v3 =	vand.u32 $0x7, v3;
	v4 =	vand.u32 $0xFFFFFFF0, v52  }
0x4d: {  	v3 =	vor.u32 v3, v4  }
0x4e: {  	v4 =	vperm.xlane v3, v0;
	_ =	sdelay $0x1  }
0x4f: {  	v3 =	vperm.xlane v3, v2;
	v4 =	vadd.s32 v1, v4;
	_ =	sdelay $0x1  }
0x50: {  	v3 =	vadd.s32 v1, v3;
	_ =	sdelay $0x1  }
0x51: {  	s0 =	rddreg [dreg:$0xf]  }
0x52: {  	[tilespmem:s0], [sflag:$0x1] =	stream.indirect_vreg.gather [hbm4b:s1+s3], $0x80, v4, vm0, $0xb8;
	[tilespmem:$0x10100] =	vst v63  }
0x53: {  	s7 =	rddreg [dreg:$0x10]  }
0x54: {  	[tilespmem:s7], [sflag:$0x1] =	stream.indirect_vreg.gather [hbm4b:s1+s3], $0x80, v3, vm0, $0xb8;
	[tilespmem:$0x10100] =	vst v63  }
0x55: {  	v3 =	vld [tilespmem:$0x50];
	_ =	sdelay $0x4  }
0x56: {  	v53 =	vshll.u32 v3, $0x1  }
0x57: {  	v3 =	vand.u32 $0x7, v3;
	v4 =	vand.u32 $0xFFFFFFF0, v53  }
0x58: {  	v3 =	vor.u32 v3, v4  }
0x59: {  	v4 =	vperm.xlane v3, v0;
	_ =	sdelay $0x1  }
0x5a: {  	v3 =	vperm.xlane v3, v2;
	v4 =	vadd.s32 v1, v4;
	_ =	sdelay $0x1  }
0x5b: {  	v3 =	vadd.s32 v1, v3;
	_ =	sdelay $0x1  }
0x5c: {  	s7 =	simm.s32 $0x5100  }
0x5d: {  	[tilespmem:s7], [sflag:$0x1] =	stream.indirect_vreg.gather [hbm4b:s1+s3], $0x80, v4, vm0, $0xb8;
	[tilespmem:$0x10100] =	vst v63  }
0x5e: {  	_ = 	snop  }
0x5f: {  	[tilespmem:s8], [sflag:$0x1] =	stream.indirect_vreg.gather [hbm4b:s1+s3], $0x80, v3, vm0, $0xb8;
	[tilespmem:$0x10100] =	vst v63  }
0x60: {  	v3 =	vld [tilespmem:$0x60];
	_ =	sdelay $0x4  }
0x61: {  	v54 =	vshll.u32 v3, $0x1  }
0x62: {  	v3 =	vand.u32 $0x7, v3;
	v4 =	vand.u32 $0xFFFFFFF0, v54  }
0x63: {  	v3 =	vor.u32 v3, v4  }
0x64: {  	v4 =	vperm.xlane v3, v0;
	_ =	sdelay $0x1  }
0x65: {  	v3 =	vperm.xlane v3, v2;
	v4 =	vadd.s32 v1, v4;
	_ =	sdelay $0x1  }
0x66: {  	v3 =	vadd.s32 v1, v3;
	_ =	sdelay $0x2  }
0x67: {  	[tilespmem:s9], [sflag:$0x1] =	stream.indirect_vreg.gather [hbm4b:s1+s3], $0x80, v4, vm0, $0xb8;
	[tilespmem:$0x10100] =	vst v63  }
0x68: {  	_ = 	snop  }
0x69: {  	[tilespmem:s10], [sflag:$0x1] =	stream.indirect_vreg.gather [hbm4b:s1+s3], $0x80, v3, vm0, $0xb8;
	[tilespmem:$0x10100] =	vst v63  }
0x6a: {  	v3 =	vld [tilespmem:$0x70];
	_ =	sdelay $0x4  }
0x6b: {  	v55 =	vshll.u32 v3, $0x1  }
0x6c: {  	v3 =	vand.u32 $0x7, v3;
	v4 =	vand.u32 $0xFFFFFFF0, v55  }
0x6d: {  	v3 =	vor.u32 v3, v4  }
0x6e: {  	v4 =	vperm.xlane v3, v0;
	_ =	sdelay $0x1  }
0x6f: {  	v3 =	vperm.xlane v3, v2;
	v4 =	vadd.s32 v1, v4;
	_ =	sdelay $0x1  }
0x70: {  	v3 =	vadd.s32 v1, v3;
	_ =	sdelay $0x2  }
0x71: {  	[tilespmem:s11], [sflag:$0x1] =	stream.indirect_vreg.gather [hbm4b:s1+s3], $0x80, v4, vm0, $0xb8;
	[tilespmem:$0x10100] =	vst v63  }
0x72: {  	_ = 	snop  }
0x73: {  	[tilespmem:s12], [sflag:$0x1] =	stream.indirect_vreg.gather [hbm4b:s1+s3], $0x80, v3, vm0, $0xb8;
	[tilespmem:$0x10100] =	vst v63  }
0x74: {  	s7 =	rddreg [dreg:$0x5]  }
0x75: {  	[tilespmem:s13], [sflag:$0x3] =	stream.linear.gather [hbm4b:s7+s3], $0x80, $0x38;
	[tilespmem:$0x10100] =	vst v63  }
0x76: {  	_ =	swait.ge [sflag:s5], $0x80  }
0x77: {  	[sflag:s5] =	ssyncset.done $0x0  }
0x78: {  	[sflag:s5] =	ssyncadd.s32 $0xFFFFFF80  }
0x79: {  	v3 =	vld [tilespmem:$0x80];
	_ =	sdelay $0x4  }
0x7a: {  	v56 =	vshll.u32 v3, $0x1  }
0x7b: {  	v3 =	vand.u32 $0x7, v3;
	v4 =	vand.u32 $0xFFFFFFF0, v56  }
0x7c: {  	v3 =	vor.u32 v3, v4  }
0x7d: {  	v4 =	vperm.xlane v3, v0;
	_ =	sdelay $0x1  }
0x7e: {  	v3 =	vperm.xlane v3, v2;
	v4 =	vadd.s32 v1, v4;
	_ =	sdelay $0x1  }
0x7f: {  	v3 =	vadd.s32 v1, v3;
	_ =	sdelay $0x2  }
0x80: {  	[tilespmem:s14], [sflag:$0x2] =	stream.indirect_vreg.gather [hbm4b:s1+s3], $0x80, v4, vm0, $0xb8;
	[tilespmem:$0x10100] =	vst v63  }
0x81: {  	_ = 	snop  }
0x82: {  	[tilespmem:s15], [sflag:$0x2] =	stream.indirect_vreg.gather [hbm4b:s1+s3], $0x80, v3, vm0, $0xb8;
	[tilespmem:$0x10100] =	vst v63  }
0x83: {  	v3 =	vld [tilespmem:$0x90];
	_ =	sdelay $0x4  }
0x84: {  	v57 =	vshll.u32 v3, $0x1  }
0x85: {  	v3 =	vand.u32 $0x7, v3;
	v4 =	vand.u32 $0xFFFFFFF0, v57  }
0x86: {  	v3 =	vor.u32 v3, v4  }
0x87: {  	v4 =	vperm.xlane v3, v0;
	_ =	sdelay $0x1  }
0x88: {  	v3 =	vperm.xlane v3, v2;
	v4 =	vadd.s32 v1, v4;
	_ =	sdelay $0x1  }
0x89: {  	v3 =	vadd.s32 v1, v3;
	_ =	sdelay $0x2  }
0x8a: {  	[tilespmem:s16], [sflag:$0x2] =	stream.indirect_vreg.gather [hbm4b:s1+s3], $0x80, v4, vm0, $0xb8;
	[tilespmem:$0x10100] =	vst v63  }
0x8b: {  	_ = 	snop  }
0x8c: {  	[tilespmem:s17], [sflag:$0x2] =	stream.indirect_vreg.gather [hbm4b:s1+s3], $0x80, v3, vm0, $0xb8;
	[tilespmem:$0x10100] =	vst v63  }
0x8d: {  	v3 =	vld [tilespmem:$0xA0];
	_ =	sdelay $0x4  }
0x8e: {  	v58 =	vshll.u32 v3, $0x1  }
0x8f: {  	v3 =	vand.u32 $0x7, v3;
	v4 =	vand.u32 $0xFFFFFFF0, v58  }
0x90: {  	v3 =	vor.u32 v3, v4  }
0x91: {  	v4 =	vperm.xlane v3, v0;
	_ =	sdelay $0x1  }
0x92: {  	v3 =	vperm.xlane v3, v2;
	v4 =	vadd.s32 v1, v4;
	_ =	sdelay $0x1  }
0x93: {  	v3 =	vadd.s32 v1, v3;
	_ =	sdelay $0x2  }
0x94: {  	[tilespmem:s18], [sflag:$0x2] =	stream.indirect_vreg.gather [hbm4b:s1+s3], $0x80, v4, vm0, $0xb8;
	[tilespmem:$0x10100] =	vst v63  }
0x95: {  	_ = 	snop  }
0x96: {  	[tilespmem:s19], [sflag:$0x2] =	stream.indirect_vreg.gather [hbm4b:s1+s3], $0x80, v3, vm0, $0xb8;
	[tilespmem:$0x10100] =	vst v63  }
0x97: {  	v3 =	vld [tilespmem:$0xB0];
	_ =	sdelay $0x4  }
0x98: {  	v59 =	vshll.u32 v3, $0x1  }
0x99: {  	v3 =	vand.u32 $0x7, v3;
	v4 =	vand.u32 $0xFFFFFFF0, v59  }
0x9a: {  	v3 =	vor.u32 v3, v4  }
0x9b: {  	v4 =	vperm.xlane v3, v0;
	_ =	sdelay $0x1  }
0x9c: {  	v3 =	vperm.xlane v3, v2;
	v4 =	vadd.s32 v1, v4;
	_ =	sdelay $0x1  }
0x9d: {  	v3 =	vadd.s32 v1, v3;
	_ =	sdelay $0x2  }
0x9e: {  	[tilespmem:s20], [sflag:$0x2] =	stream.indirect_vreg.gather [hbm4b:s1+s3], $0x80, v4, vm0, $0xb8;
	[tilespmem:$0x10100] =	vst v63  }
0x9f: {  	_ = 	snop  }
0xa0: {  	[tilespmem:s21], [sflag:$0x2] =	stream.indirect_vreg.gather [hbm4b:s1+s3], $0x80, v3, vm0, $0xb8;
	[tilespmem:$0x10100] =	vst v63  }
0xa1: {  	v3 =	vld [tilespmem:$0xC0];
	_ =	sdelay $0x4  }
0xa2: {  	v60 =	vshll.u32 v3, $0x1  }
0xa3: {  	v3 =	vand.u32 $0x7, v3;
	v4 =	vand.u32 $0xFFFFFFF0, v60  }
0xa4: {  	v3 =	vor.u32 v3, v4  }
0xa5: {  	v4 =	vperm.xlane v3, v0;
	_ =	sdelay $0x1  }
0xa6: {  	v3 =	vperm.xlane v3, v2;
	v4 =	vadd.s32 v1, v4;
	_ =	sdelay $0x1  }
0xa7: {  	v3 =	vadd.s32 v1, v3;
	_ =	sdelay $0x2  }
0xa8: {  	[tilespmem:s22], [sflag:$0x2] =	stream.indirect_vreg.gather [hbm4b:s1+s3], $0x80, v4, vm0, $0xb8;
	[tilespmem:$0x10100] =	vst v63  }
0xa9: {  	_ = 	snop  }
0xaa: {  	[tilespmem:s23], [sflag:$0x2] =	stream.indirect_vreg.gather [hbm4b:s1+s3], $0x80, v3, vm0, $0xb8;
	[tilespmem:$0x10100] =	vst v63  }
0xab: {  	v3 =	vld [tilespmem:$0xD0];
	_ =	sdelay $0x4  }
0xac: {  	v61 =	vshll.u32 v3, $0x1  }
0xad: {  	v3 =	vand.u32 $0x7, v3;
	v4 =	vand.u32 $0xFFFFFFF0, v61  }
0xae: {  	v3 =	vor.u32 v3, v4  }
0xaf: {  	v4 =	vperm.xlane v3, v0;
	_ =	sdelay $0x1  }
0xb0: {  	v3 =	vperm.xlane v3, v2;
	v4 =	vadd.s32 v1, v4;
	_ =	sdelay $0x1  }
0xb1: {  	v3 =	vadd.s32 v1, v3;
	_ =	sdelay $0x2  }
0xb2: {  	[tilespmem:s24], [sflag:$0x2] =	stream.indirect_vreg.gather [hbm4b:s1+s3], $0x80, v4, vm0, $0xb8;
	[tilespmem:$0x10100] =	vst v63  }
0xb3: {  	_ = 	snop  }
0xb4: {  	[tilespmem:s25], [sflag:$0x2] =	stream.indirect_vreg.gather [hbm4b:s1+s3], $0x80, v3, vm0, $0xb8;
	[tilespmem:$0x10100] =	vst v63  }
0xb5: {  	v3 =	vld [tilespmem:$0xE0];
	_ =	sdelay $0x4  }
0xb6: {  	v62 =	vshll.u32 v3, $0x1  }
0xb7: {  	v3 =	vand.u32 $0x7, v3;
	v4 =	vand.u32 $0xFFFFFFF0, v62  }
0xb8: {  	v3 =	vor.u32 v3, v4  }
0xb9: {  	v4 =	vperm.xlane v3, v0;
	_ =	sdelay $0x1  }
0xba: {  	v3 =	vperm.xlane v3, v2;
	v4 =	vadd.s32 v1, v4;
	_ =	sdelay $0x1  }
0xbb: {  	v3 =	vadd.s32 v1, v3;
	_ =	sdelay $0x2  }
0xbc: {  	[tilespmem:s26], [sflag:$0x2] =	stream.indirect_vreg.gather [hbm4b:s1+s3], $0x80, v4, vm0, $0xb8;
	[tilespmem:$0x10100] =	vst v63  }
0xbd: {  	_ = 	snop  }
0xbe: {  	[tilespmem:s28], [sflag:$0x2] =	stream.indirect_vreg.gather [hbm4b:s1+s3], $0x80, v3, vm0, $0xb8;
	[tilespmem:$0x10100] =	vst v63  }
0xbf: {  	v3 =	vld [tilespmem:$0xF0];
	_ =	sdelay $0x4  }
0xc0: {  	v63 =	vshll.u32 v3, $0x1  }
0xc1: {  	v3 =	vand.u32 $0x7, v3;
	v4 =	vand.u32 $0xFFFFFFF0, v63  }
0xc2: {  	v3 =	vor.u32 v3, v4  }
0xc3: {  	v4 =	vperm.xlane v3, v0;
	_ =	sdelay $0x1  }
0xc4: {  	v3 =	vperm.xlane v3, v2;
	v4 =	vadd.s32 v1, v4;
	_ =	sdelay $0x1  }
0xc5: {  	v3 =	vadd.s32 v1, v3;
	_ =	sdelay $0x2  }
0xc6: {  	[tilespmem:s29], [sflag:$0x2] =	stream.indirect_vreg.gather [hbm4b:s1+s3], $0x80, v4, vm0, $0xb8;
	[tilespmem:$0x10100] =	vst v63  }
0xc7: {  	_ = 	snop  }
0xc8: {  	[tilespmem:s30], [sflag:$0x2] =	stream.indirect_vreg.gather [hbm4b:s1+s3], $0x80, v3, vm0, $0xb8;
	[tilespmem:$0x10100] =	vst v63  }
0xc9: {  	_ =	swait.ge [sflag:s31], $0x8000  }
0xca: {  	[sflag:s31] =	ssyncset.done $0x0  }
0xcb: {  	s7 =	rddreg [dreg:$0x6];
	[sflag:s31] =	ssyncadd.s32 $0xFFFF8000  }
0xcc: {  	[hbm4b:s7+s3] =	stream.linear.scatter [tilespmem:s6], [sflag:$0x3], $0x8000, $0x38;
	[tilespmem:$0x10100] =	vst v63  }
0xcd: {  	_ =	swait.ge [sflag:s5], $0x8000  }
0xce: {  	[sflag:s5] =	ssyncset.done $0x0  }
0xcf: {  	[sflag:s5] =	ssyncadd.s32 $0xFFFF8000  }
0xd0: {  	_ =	swait.ge [sflag:s2], $0x8000  }
0xd1: {  	p0 =	sne.s32 s4, $0x1;
	[sflag:s2] =	ssyncset.done $0x0  }
.Ltmp0:
0xd2: {  	s7 =	rddreg [dreg:$0x7];
	[sflag:s2] =	ssyncadd.s32 $0xFFFF8000;
	(pc) =	sbr.rel @p0 .LBB2_1-.Ltmp0, $4  }
0xd3: {  	[hbm4b:s7+s3] =	stream.linear.scatter [tilespmem:s14], [sflag:$0x3], $0x8000, $0x38;
	[tilespmem:$0x10100] =	vst v63  }
0xd4: {  	_ =	swait.ge [sflag:s5], $0x8000  }
0xd5: {  	[sflag:s5] =	ssyncset.done $0x0  }
0xd6: {  	s4 =	sadd.s32 $0xFFFFFFFF, s4;
	[sflag:s5] =	ssyncadd.s32 $0xFFFF8000  }
0xd7: {  	_ =	sfence.sel $0x180000  }
0xd8: {  	[bflag:$0x0] =	sbarrier.arrive $0xFFFF  }
0xd9: {  	_ =	strace $0x90000047  }
0xda: {  	s0 =	stileid.u32;
	[bflag:$0x2] =	sbarrier.arrive $0xFFFF  }
0xdb: {  	p0 =	sne.s32 s0, $0x0;
	s0 =	rddreg [dreg:$0x3]  }
0xdc: {  	s0 =	sadd.s32 @!p0 $0x100000, s0  }
0xdd: {  	[sflag:s0] =	ssyncadd.tile.s32 @!p0 $0x1;
	_ =	shalt  }
.Lfunc_end2:
_tile_overlayer_lowered:
.L_overlay_start_2:
0xde: {  	(tag) =	ssettag $0x2  }
0xdf: {  	s0 =	rddreg [dreg:$0x0];
	s2 =	stileid.u32  }
0xe0: {  	s1 =	rddreg [dreg:$0x1];
	p0 =	sne.s32 s2, $0x0  }
0xe1: {  	s3 =	rddreg [dreg:$0x2];
	[bflag:$0x3] =	sbarrier.arrive $0xFFFF;
	s2 =	simm.s32 @!p0 $0x1C03  }
0xe2: {  	[timem:s3], [sflag:s2] =	dma.local @!p0 [hbm:s0], s1  }
0xe3: {  	s0 =	simm.s32 @!p0 $0x3  }
0xe4: {  	_ =	swait.ge @!p0 [sflag:s0], s1  }
0xe5: {  	s1 =	ssub.s32 @!p0 $0x0, s1;
	[sflag:s0] =	ssyncset.done @!p0 $0x0  }
0xe6: {  	[sflag:s0] =	ssyncadd.s32 @!p0 s1  }
0xe7: {  	[bflag:$0x3] =	sbarrier.arrive $0xFFFF  }
0xe8: {  	_ =	shalt  }

</sc_bundles>
